<compile_context>
chip_gen: v7x
topology: tpu7x:2x2x1
jax: 0.10.2.dev20260603
libtpu: 0.0.44.dev20260713+nightly
codegen_flags: <defaults>
</compile_context>

<pallas_src>
import jax
import jax.numpy as jnp
from jax import lax
from jax.experimental import pallas as pl
from jax.experimental.pallas import tpu as pltpu
from jax.experimental.pallas import tpu_sc as plsc

B = 4096
F = 26
V = 100000
K = 64
H1 = 512
H2 = 256
D = F * K
BF = B * F
NC, NS = 2, 16
NW = NC * NS
ROWS_PER_W = BF // NW
CHUNK = 128
NCH = ROWS_PER_W // CHUNK


def _sc_gather_body(idx_hbm, table_hbm, out_hbm, idx_v, rows_v, sem):
    wid = lax.axis_index("s") * NC + lax.axis_index("c")
    pltpu.sync_copy(idx_hbm.at[wid], idx_v)
    base = wid * ROWS_PER_W

    def body(j, carry):
        pltpu.async_copy(table_hbm.at[idx_v.at[j]], rows_v, sem).wait()
        pltpu.sync_copy(rows_v, out_hbm.at[pl.ds(base + j * CHUNK, CHUNK)])
        return carry

    lax.fori_loop(0, NCH, body, 0)


_SC_GATHER_CACHE = {}


def _sc_gather():
    if "k" not in _SC_GATHER_CACHE:
        _SC_GATHER_CACHE["k"] = pl.kernel(
            _sc_gather_body,
            out_type=jax.ShapeDtypeStruct((BF, K), jnp.float32),
            mesh=plsc.VectorSubcoreMesh(
                core_axis_name="c", subcore_axis_name="s",
                num_cores=NC, num_subcores=NS,
            ),
            scratch_types=[
                pltpu.VMEM((NCH, CHUNK), jnp.int32),
                pltpu.VMEM((CHUNK, K), jnp.float32),
                pltpu.SemaphoreType.DMA,
            ],
            compiler_params=pltpu.CompilerParams(use_tc_tiling_on_sc=False),
        )
    return _SC_GATHER_CACHE["k"]

BB = 512


def _dense_body(x_ref, b0_ref, w1_ref, b1_ref, w2_ref, b2_ref, w3_ref, b3_ref,
                o_ref):
    l = jnp.tanh(x_ref[...] + b0_ref[...])
    h1 = jnp.dot(l, w1_ref[...], preferred_element_type=jnp.float32)
    h1 = jnp.maximum(h1 + b1_ref[...], 0.0)
    h2 = jnp.dot(h1, w2_ref[...], preferred_element_type=jnp.float32)
    h2 = jnp.maximum(h2 + b2_ref[...], 0.0)
    y = jnp.sum(h2 * w3_ref[...], axis=1) + b3_ref[0]
    o_ref[...] = jax.nn.sigmoid(y)


_dense = pl.pallas_call(
    _dense_body,
    grid=(B // BB,),
    in_specs=[
        pl.BlockSpec((BB, D), lambda i: (i, 0)),
        pl.BlockSpec((1, D), lambda i: (0, 0)),
        pl.BlockSpec((D, H1), lambda i: (0, 0)),
        pl.BlockSpec((1, H1), lambda i: (0, 0)),
        pl.BlockSpec((H1, H2), lambda i: (0, 0)),
        pl.BlockSpec((1, H2), lambda i: (0, 0)),
        pl.BlockSpec((1, H2), lambda i: (0, 0)),
        pl.BlockSpec(memory_space=pltpu.SMEM),
    ],
    out_specs=pl.BlockSpec((BB,), lambda i: (i,)),
    out_shape=jax.ShapeDtypeStruct((B,), jnp.float32),
    compiler_params=pltpu.CompilerParams(
        dimension_semantics=("arbitrary",),
    ),
)


def kernel(indices, W0, b0, w1, k1, b1, w2, b2, w3, b3):
    flat_idx = (indices.astype(jnp.int32)
                + (jnp.arange(F, dtype=jnp.int32) * V)[None, :])
    emb = _sc_gather()(flat_idx.reshape(NW, NCH, CHUNK), W0.reshape(F * V, K))
    w1p = w1 + jnp.repeat(k1, K, axis=0)
    return _dense(emb.reshape(B, D), b0.reshape(1, D), w1p, b1.reshape(1, H1),
                  w2, b2.reshape(1, H2), w3.reshape(1, H2), b3)

# --- scband reference (transcript-rebuilt; emitter-appended) ---
"""Pipeline reference for scband-pnn1-12060268167849 (READ-ONLY COPY).

The authoritative reference and input builder live on the scoring server;
editing this copy changes nothing except your own understanding.
"""

import jax, jax.numpy as jnp
import numpy as np

B = 4096   # batch
F = 26     # num sparse fields (num_inputs)
V = 100000 # per-field vocab (layer_sizes[0][i])
K = 64     # factor_order (layer_sizes[1])
H1 = 512   # layer_sizes[2]
H2 = 256   # layer_sizes[3]


def setup_inputs(seed: int = 0) -> dict:
    key = jax.random.key(seed)
    ks = jax.random.split(key, 8)
    indices = jax.random.randint(ks[0], (B, F), 0, V)  # one active id per field (one-hot sparse X)
    # Stacked per-field embedding tables w0_i: [V, K] each -> W0: [F, V, K]
    W0 = jax.random.normal(ks[1], (F, V, K), dtype=jnp.float32) * 0.01
    b0 = jnp.zeros((F, K), dtype=jnp.float32)
    w1 = jax.random.normal(ks[2], (F * K, H1), dtype=jnp.float32) * 0.01
    k1 = jax.random.normal(ks[3], (F, H1), dtype=jnp.float32) * 0.01
    b1 = jnp.zeros((H1,), dtype=jnp.float32)
    w2 = jax.random.normal(ks[4], (H1, H2), dtype=jnp.float32) * 0.01
    b2 = jnp.zeros((H2,), dtype=jnp.float32)
    w3 = jax.random.normal(ks[5], (H2, 1), dtype=jnp.float32) * 0.01
    b3 = jnp.zeros((1,), dtype=jnp.float32)
    return {"indices": indices, "W0": W0, "b0": b0, "w1": w1, "k1": k1,
            "b1": b1, "w2": w2, "b2": b2, "w3": w3, "b3": b3}


def reference(indices, W0, b0, w1, k1, b1, w2, b2, w3, b3):
    # xw[i] = sparse_tensor_dense_matmul(X_i, w0_i)  == embedding lookup for one-hot X_i
    field_ids = jnp.arange(F)[None, :]               # [1, F]
    emb = W0[field_ids, indices]                     # gather -> [B, F, K]
    x = (emb + b0[None, :, :]).reshape(B, F * K)     # concat([xw_i + b0_i])
    l = jnp.tanh(x)                                  # activate(x, layer_acts[0]); dropout keep=1 (test mode)
    # product term p
    lp = l.reshape(B, F, K).transpose(0, 2, 1).reshape(-1, F)   # [B*K, F]
    p = (lp @ k1).reshape(B, K, H1).sum(axis=1)                  # [B, H1]
    l = jax.nn.relu(l @ w1 + b1[None, :] + p)                    # layer_acts[1]
    l = jax.nn.relu(l @ w2 + b2[None, :])                        # layer_acts[2]
    l = l @ w3 + b3[None, :]                                     # layer_acts[3] = 'none'
    l = l.reshape(-1)
    y_prob = jax.nn.sigmoid(l)
    return y_prob

if __name__ == "__main__":
    import jax
    _d = setup_inputs()
    print(jax.jit(kernel)(*tuple(_d.values())))

</pallas_src>

<mosaic_0001>
#map = affine_map<(d0, d1) -> (0, 0, 0)>
#map1 = affine_map<(d0, d1) -> (0, 0)>
module attributes {stable_mosaic.version = 14 : i64} {
  func.func @_sc_gather_body(%arg0: i32, %arg1: i32, %arg2: memref<32x26x128xi32, #tpu.memory_space<hbm>>, %arg3: memref<2600000x64xf32, #tpu.memory_space<hbm>>, %arg4: memref<106496x64xf32, #tpu.memory_space<hbm>>, %arg5: memref<26x128xi32, #tpu.memory_space<vmem>>, %arg6: memref<128x64xf32, #tpu.memory_space<vmem>>, %arg7: memref<!tpu.dma_semaphore, #tpu.memory_space<semaphore_mem>>) attributes {dimension_semantics = [#tpu.dimension_semantics<core_parallel>, #tpu.dimension_semantics<subcore_parallel>], iteration_bounds = array<i64: 2, 16>, scalar_prefetch = 0 : i64, scratch_operands = 3 : i64, tpu.core_type = #tpu.core_type<sc_vector_subcore>, window_params = [{transform_indices = #map}, {transform_indices = #map1}, {transform_indices = #map1}]} {
    %mul3A = arith.constant 2 : i32
    %mul3A_0 = arith.muli %arg1, %mul3A : i32
    %add3A = arith.addi %mul3A_0, %arg0 : i32
    "tpu.region"() ({
      %run_scoped3A = tpu.sem_alloc : memref<!tpu.dma_semaphore, #tpu.memory_space<semaphore_mem>>
      %dma_start3A = arith.constant 0 : i32
      %dma_start3A_8 = arith.constant 0 : i32
      %dma_start3A_9 = tpu.memref_slice %arg2[%add3A, %dma_start3A, %dma_start3A_8] : memref<32x26x128xi32, #tpu.memory_space<hbm>> -> memref<1x26x128xi32, #tpu.memory_space<hbm>>
      %dma_start3A_10 = tpu.memref_squeeze %dma_start3A_9 : memref<1x26x128xi32, #tpu.memory_space<hbm>> -> memref<26x128xi32, #tpu.memory_space<hbm>>
      %dma_start3A_11 = arith.constant 0 : i32
      %dma_start3A_12 = arith.constant 0 : i32
      %dma_start3A_13 = tpu.memref_slice %arg2[%add3A, %dma_start3A_11, %dma_start3A_12] : memref<32x26x128xi32, #tpu.memory_space<hbm>> -> memref<1x26x128xi32, #tpu.memory_space<hbm>>
      %dma_start3A_14 = tpu.memref_squeeze %dma_start3A_13 : memref<1x26x128xi32, #tpu.memory_space<hbm>> -> memref<26x128xi32, #tpu.memory_space<hbm>>
      tpu.enqueue_dma source(%dma_start3A_14 : memref<26x128xi32, #tpu.memory_space<hbm>>) target(%arg5 : memref<26x128xi32, #tpu.memory_space<vmem>>) target_semaphore(%run_scoped3A : memref<!tpu.dma_semaphore, #tpu.memory_space<semaphore_mem>>)
      %dma_wait3A = arith.constant 0 : i32
      %dma_wait3A_15 = arith.constant 0 : i32
      %dma_wait3A_16 = tpu.memref_slice %arg2[%add3A, %dma_wait3A, %dma_wait3A_15] : memref<32x26x128xi32, #tpu.memory_space<hbm>> -> memref<1x26x128xi32, #tpu.memory_space<hbm>>
      %dma_wait3A_17 = tpu.memref_squeeze %dma_wait3A_16 : memref<1x26x128xi32, #tpu.memory_space<hbm>> -> memref<26x128xi32, #tpu.memory_space<hbm>>
      %dma_wait3A_18 = arith.constant 0 : i32
      %dma_wait3A_19 = arith.constant 0 : i32
      %dma_wait3A_20 = tpu.memref_slice %arg2[%add3A, %dma_wait3A_18, %dma_wait3A_19] : memref<32x26x128xi32, #tpu.memory_space<hbm>> -> memref<1x26x128xi32, #tpu.memory_space<hbm>>
      %dma_wait3A_21 = tpu.memref_squeeze %dma_wait3A_20 : memref<1x26x128xi32, #tpu.memory_space<hbm>> -> memref<26x128xi32, #tpu.memory_space<hbm>>
      tpu.wait_dma2 semaphore(%run_scoped3A : memref<!tpu.dma_semaphore, #tpu.memory_space<semaphore_mem>>) src(%dma_wait3A_21 : memref<26x128xi32, #tpu.memory_space<hbm>>) dst(%arg5 : memref<26x128xi32, #tpu.memory_space<vmem>>)
      tpu.yield
    }) : () -> ()
    %mul3A_1 = arith.constant 3328 : i32
    %mul3A_2 = arith.muli %add3A, %mul3A_1 : i32
    %scan3A = arith.constant 0 : i32
    %scan3A_3 = arith.constant 0 : i32
    %scan3A_4 = arith.constant 26 : i32
    %scan3A_5 = arith.addi %scan3A_3, %scan3A_4 : i32
    %scan3A_6 = arith.constant 1 : i32
    scf.for %scan3A_8 = %scan3A_3 to %scan3A_5 step %scan3A_6  : i32 {
      %dma_start3A = arith.constant 0 : i32
      %dma_start3A_9 = tpu.memref_slice %arg5[%scan3A_8, %dma_start3A] : memref<26x128xi32, #tpu.memory_space<vmem>> -> memref<1x128xi32, #tpu.memory_space<vmem>>
      %dma_start3A_10 = tpu.memref_squeeze %dma_start3A_9 : memref<1x128xi32, #tpu.memory_space<vmem>> -> memref<128xi32, #tpu.memory_space<vmem>>
      %dma_start3A_11 = arith.constant 0 : i32
      %dma_start3A_12 = arith.constant 0 : i32
      %dma_start3A_13 = tpu.memref_slice %arg3[%dma_start3A_11, %dma_start3A_12] : memref<2600000x64xf32, #tpu.memory_space<hbm>> -> memref<2600000x64xf32, #tpu.memory_space<hbm>>
      tpu.enqueue_indirect_dma source(%dma_start3A_13 : memref<2600000x64xf32, #tpu.memory_space<hbm>>) target(%arg6 : memref<128x64xf32, #tpu.memory_space<vmem>>) offsets(%dma_start3A_10 : memref<128xi32, #tpu.memory_space<vmem>>) semaphore(%arg7 : memref<!tpu.dma_semaphore, #tpu.memory_space<semaphore_mem>>)
      %dma_wait3A = arith.constant 0 : i32
      %dma_wait3A_14 = tpu.memref_slice %arg5[%scan3A_8, %dma_wait3A] : memref<26x128xi32, #tpu.memory_space<vmem>> -> memref<1x128xi32, #tpu.memory_space<vmem>>
      %dma_wait3A_15 = tpu.memref_squeeze %dma_wait3A_14 : memref<1x128xi32, #tpu.memory_space<vmem>> -> memref<128xi32, #tpu.memory_space<vmem>>
      %dma_wait3A_16 = arith.constant 0 : i32
      %dma_wait3A_17 = arith.constant 0 : i32
      %dma_wait3A_18 = tpu.memref_slice %arg3[%dma_wait3A_16, %dma_wait3A_17] : memref<2600000x64xf32, #tpu.memory_space<hbm>> -> memref<2600000x64xf32, #tpu.memory_space<hbm>>
      tpu.wait_indirect_dma semaphore(%arg7 : memref<!tpu.dma_semaphore, #tpu.memory_space<semaphore_mem>>) src(%dma_wait3A_18 : memref<2600000x64xf32, #tpu.memory_space<hbm>>) dst(%arg6 : memref<128x64xf32, #tpu.memory_space<vmem>>)
      %mul3A_19 = arith.constant 128 : i32
      %mul3A_20 = arith.muli %scan3A_8, %mul3A_19 : i32
      %add3A_21 = arith.addi %mul3A_2, %mul3A_20 : i32
      "tpu.region"() ({
        %run_scoped3A = tpu.sem_alloc : memref<!tpu.dma_semaphore, #tpu.memory_space<semaphore_mem>>
        %dma_start3A_22 = arith.constant 0 : i32
        %dma_start3A_23 = tpu.memref_slice %arg4[%add3A_21, %dma_start3A_22] : memref<106496x64xf32, #tpu.memory_space<hbm>> -> memref<128x64xf32, #tpu.memory_space<hbm>>
        %dma_start3A_24 = arith.constant 0 : i32
        %dma_start3A_25 = tpu.memref_slice %arg4[%add3A_21, %dma_start3A_24] : memref<106496x64xf32, #tpu.memory_space<hbm>> -> memref<128x64xf32, #tpu.memory_space<hbm>>
        tpu.enqueue_dma source(%arg6 : memref<128x64xf32, #tpu.memory_space<vmem>>) target(%dma_start3A_25 : memref<128x64xf32, #tpu.memory_space<hbm>>) target_semaphore(%run_scoped3A : memref<!tpu.dma_semaphore, #tpu.memory_space<semaphore_mem>>)
        %dma_wait3A_26 = arith.constant 0 : i32
        %dma_wait3A_27 = tpu.memref_slice %arg4[%add3A_21, %dma_wait3A_26] : memref<106496x64xf32, #tpu.memory_space<hbm>> -> memref<128x64xf32, #tpu.memory_space<hbm>>
        %dma_wait3A_28 = arith.constant 0 : i32
        %dma_wait3A_29 = tpu.memref_slice %arg4[%add3A_21, %dma_wait3A_28] : memref<106496x64xf32, #tpu.memory_space<hbm>> -> memref<128x64xf32, #tpu.memory_space<hbm>>
        tpu.wait_dma2 semaphore(%run_scoped3A : memref<!tpu.dma_semaphore, #tpu.memory_space<semaphore_mem>>) src(%arg6 : memref<128x64xf32, #tpu.memory_space<vmem>>) dst(%dma_wait3A_29 : memref<128x64xf32, #tpu.memory_space<hbm>>)
        tpu.yield
      }) : () -> ()
    }
    %scan3A_7 = arith.constant 26 : i32
    return
  }
}

module attributes {stable_mosaic.version = 14 : i64} {
  func.func @_dense_body(%arg0: i32, %arg1: memref<512x1664xf32, #tpu.memory_space<vmem>>, %arg2: memref<1x1664xf32, #tpu.memory_space<vmem>>, %arg3: memref<1664x512xf32, #tpu.memory_space<vmem>>, %arg4: memref<1x512xf32, #tpu.memory_space<vmem>>, %arg5: memref<512x256xf32, #tpu.memory_space<vmem>>, %arg6: memref<1x256xf32, #tpu.memory_space<vmem>>, %arg7: memref<1x256xf32, #tpu.memory_space<vmem>>, %arg8: memref<1xf32, #tpu.memory_space<smem>>, %arg9: memref<512xf32, #tpu.memory_space<vmem>>) attributes {dimension_semantics = [#tpu.dimension_semantics<arbitrary>], iteration_bounds = array<i64: 8>, scalar_prefetch = 0 : i64, scratch_operands = 0 : i64, tpu.core_type = #tpu.core_type<tc>, window_params = [{transform_indices = @transform_0, window_bounds = array<i64: 512, 1664>}, {pipeline_mode = #tpu.pipeline_mode<synchronous>, transform_indices = @transform_1, window_bounds = array<i64: 1, 1664>}, {pipeline_mode = #tpu.pipeline_mode<synchronous>, transform_indices = @transform_2, window_bounds = array<i64: 1664, 512>}, {pipeline_mode = #tpu.pipeline_mode<synchronous>, transform_indices = @transform_3, window_bounds = array<i64: 1, 512>}, {pipeline_mode = #tpu.pipeline_mode<synchronous>, transform_indices = @transform_4, window_bounds = array<i64: 512, 256>}, {pipeline_mode = #tpu.pipeline_mode<synchronous>, transform_indices = @transform_5, window_bounds = array<i64: 1, 256>}, {pipeline_mode = #tpu.pipeline_mode<synchronous>, transform_indices = @transform_6, window_bounds = array<i64: 1, 256>}, {transform_indices = @transform_7, window_bounds = array<i64: 1>}, {transform_indices = @transform_8, window_bounds = array<i64: 512>}]} {
    %get3A = arith.constant 0 : index
    %get3A_0 = arith.constant 0 : index
    %get3A_1 = vector.load %arg1[%get3A, %get3A_0] : memref<512x1664xf32, #tpu.memory_space<vmem>>, vector<512x1664xf32>
    %get3A_2 = arith.constant 0 : index
    %get3A_3 = arith.constant 0 : index
    %get3A_4 = vector.load %arg2[%get3A_2, %get3A_3] : memref<1x1664xf32, #tpu.memory_space<vmem>>, vector<1x1664xf32>
    %add3A = vector.broadcast %get3A_4 : vector<1x1664xf32> to vector<512x1664xf32>
    %add3A_5 = arith.addf %get3A_1, %add3A : vector<512x1664xf32>
    %tanh3A = math.tanh %add3A_5 : vector<512x1664xf32>
    %get3A_6 = arith.constant 0 : index
    %get3A_7 = arith.constant 0 : index
    %get3A_8 = vector.load %arg3[%get3A_6, %get3A_7] : memref<1664x512xf32, #tpu.memory_space<vmem>>, vector<1664x512xf32>
    %dot_general3A = arith.constant dense<0.000000e+00> : vector<512x512xf32>
    %dot_general3A_9 = tpu.matmul %tanh3A, %get3A_8, %dot_general3A {dimension_numbers = #tpu.dot_dimension_numbers<[1], [0], [0], [1], [0, 0, 1, 1], [], []>, transpose_lhs_hint = false} : vector<512x1664xf32>, vector<1664x512xf32>, vector<512x512xf32> -> vector<512x512xf32>
    %get3A_10 = arith.constant 0 : index
    %get3A_11 = arith.constant 0 : index
    %get3A_12 = vector.load %arg4[%get3A_10, %get3A_11] : memref<1x512xf32, #tpu.memory_space<vmem>>, vector<1x512xf32>
    %add3A_13 = vector.broadcast %get3A_12 : vector<1x512xf32> to vector<512x512xf32>
    %add3A_14 = arith.addf %dot_general3A_9, %add3A_13 : vector<512x512xf32>
    %max3A = arith.constant 0.000000e+00 : f32
    %max3A_15 = vector.broadcast %max3A : f32 to vector<512x512xf32>
    %max3A_16 = arith.maximumf %add3A_14, %max3A_15 : vector<512x512xf32>
    %get3A_17 = arith.constant 0 : index
    %get3A_18 = arith.constant 0 : index
    %get3A_19 = vector.load %arg5[%get3A_17, %get3A_18] : memref<512x256xf32, #tpu.memory_space<vmem>>, vector<512x256xf32>
    %dot_general3A_20 = arith.constant dense<0.000000e+00> : vector<512x256xf32>
    %dot_general3A_21 = tpu.matmul %max3A_16, %get3A_19, %dot_general3A_20 {dimension_numbers = #tpu.dot_dimension_numbers<[1], [0], [0], [1], [0, 0, 1, 1], [], []>, transpose_lhs_hint = false} : vector<512x512xf32>, vector<512x256xf32>, vector<512x256xf32> -> vector<512x256xf32>
    %get3A_22 = arith.constant 0 : index
    %get3A_23 = arith.constant 0 : index
    %get3A_24 = vector.load %arg6[%get3A_22, %get3A_23] : memref<1x256xf32, #tpu.memory_space<vmem>>, vector<1x256xf32>
    %add3A_25 = vector.broadcast %get3A_24 : vector<1x256xf32> to vector<512x256xf32>
    %add3A_26 = arith.addf %dot_general3A_21, %add3A_25 : vector<512x256xf32>
    %max3A_27 = arith.constant 0.000000e+00 : f32
    %max3A_28 = vector.broadcast %max3A_27 : f32 to vector<512x256xf32>
    %max3A_29 = arith.maximumf %add3A_26, %max3A_28 : vector<512x256xf32>
    %get3A_30 = arith.constant 0 : index
    %get3A_31 = arith.constant 0 : index
    %get3A_32 = vector.load %arg7[%get3A_30, %get3A_31] : memref<1x256xf32, #tpu.memory_space<vmem>>, vector<1x256xf32>
    %mul3A = vector.broadcast %get3A_32 : vector<1x256xf32> to vector<512x256xf32>
    %mul3A_33 = arith.mulf %max3A_29, %mul3A : vector<512x256xf32>
    %reduce_sum3A = arith.constant dense<0.000000e+00> : vector<512xf32>
    %reduce_sum3A_34 = vector.multi_reduction <add>, %mul3A_33, %reduce_sum3A [1] : vector<512x256xf32> to vector<512xf32>
    %get3A_35 = arith.constant 0 : index
    %get3A_36 = memref.load %arg8[%get3A_35] : memref<1xf32, #tpu.memory_space<smem>>
    %add3A_37 = vector.broadcast %get3A_36 : f32 to vector<512xf32>
    %add3A_38 = arith.addf %reduce_sum3A_34, %add3A_37 : vector<512xf32>
    %logistic3A = arith.negf %add3A_38 : vector<512xf32>
    %logistic3A_39 = math.exp %logistic3A : vector<512xf32>
    %logistic3A_40 = arith.constant 1.000000e+00 : f32
    %logistic3A_41 = vector.broadcast %logistic3A_40 : f32 to vector<512xf32>
    %logistic3A_42 = arith.addf %logistic3A_41, %logistic3A_39 : vector<512xf32>
    %logistic3A_43 = arith.divf %logistic3A_41, %logistic3A_42 : vector<512xf32>
    %swap3A = arith.constant 0 : index
    %swap3A_44 = vector.load %arg9[%swap3A] : memref<512xf32, #tpu.memory_space<vmem>>, vector<512xf32>
    tpu.vector_store %arg9[%swap3A], %logistic3A_43 {strides = array<i32>} : memref<512xf32, #tpu.memory_space<vmem>>, vector<512xf32>,
    return
  }
  func.func @transform_0(%arg0: i32) -> (i32, i32) {
    %c0_i32 = arith.constant 0 : i32
    %c0_i32_0 = arith.constant 0 : i32
    return %arg0, %c0_i32 : i32, i32
  }
  func.func @transform_1(%arg0: i32) -> (i32, i32) {
    %c0_i32 = arith.constant 0 : i32
    %c0_i32_0 = arith.constant 0 : i32
    %c0_i32_1 = arith.constant 0 : i32
    return %c0_i32, %c0_i32_0 : i32, i32
  }
  func.func @transform_2(%arg0: i32) -> (i32, i32) {
    %c0_i32 = arith.constant 0 : i32
    %c0_i32_0 = arith.constant 0 : i32
    %c0_i32_1 = arith.constant 0 : i32
    return %c0_i32, %c0_i32_0 : i32, i32
  }
  func.func @transform_3(%arg0: i32) -> (i32, i32) {
    %c0_i32 = arith.constant 0 : i32
    %c0_i32_0 = arith.constant 0 : i32
    %c0_i32_1 = arith.constant 0 : i32
    return %c0_i32, %c0_i32_0 : i32, i32
  }
  func.func @transform_4(%arg0: i32) -> (i32, i32) {
    %c0_i32 = arith.constant 0 : i32
    %c0_i32_0 = arith.constant 0 : i32
    %c0_i32_1 = arith.constant 0 : i32
    return %c0_i32, %c0_i32_0 : i32, i32
  }
  func.func @transform_5(%arg0: i32) -> (i32, i32) {
    %c0_i32 = arith.constant 0 : i32
    %c0_i32_0 = arith.constant 0 : i32
    %c0_i32_1 = arith.constant 0 : i32
    return %c0_i32, %c0_i32_0 : i32, i32
  }
  func.func @transform_6(%arg0: i32) -> (i32, i32) {
    %c0_i32 = arith.constant 0 : i32
    %c0_i32_0 = arith.constant 0 : i32
    %c0_i32_1 = arith.constant 0 : i32
    return %c0_i32, %c0_i32_0 : i32, i32
  }
  func.func @transform_7(%arg0: i32) -> i32 {
    %c0_i32 = arith.constant 0 : i32
    %c0_i32_0 = arith.constant 0 : i32
    return %c0_i32 : i32
  }
  func.func @transform_8(%arg0: i32) -> i32 {
    %c0_i32 = arith.constant 0 : i32
    return %arg0 : i32
  }
}

</mosaic_0001>

<sc_bundles>
// kernel: kernel.4.cloned.1.call-start
scs
__scs_entry_jumppad:
0x0: {  	(pc) =	sbr.rel $0x88, $3  }
0x1: {  	(tag) =	ssettag $0x0;
	lr =	simm.s32 $0x1  }
0x2: {  	[smem:$0x3F97] =	sst lr;
	_ =	strace $0xD0000000  }
0x3: {  	_ = 	snop  }
0x4: {  	_ = 	snop  }
0x5: {  	_ = 	snop  }
0x6: {  	_ = 	snop  }
0x7: {  	_ = 	snop  }
__scs_overlays_trampoline_lowered:
0x8: {  	[smem:$0x3FA6] =	sst s0  }
0x9: {  	[smem:$0x3FA7] =	sst s1  }
0xa: {  	[smem:$0x3FA8] =	sst s2  }
0xb: {  	[smem:$0x3FA9] =	sst s3  }
0xc: {  	[smem:$0x3FAA] =	sst s4  }
0xd: {  	[smem:$0x3FAB] =	sst s5  }
0xe: {  	[smem:$0x3FAC] =	sst s6  }
0xf: {  	[smem:$0x3FAD] =	sst s7  }
0x10: {  	[smem:$0x3FAE] =	sst s8  }
0x11: {  	[smem:$0x3FAF] =	sst s9;
	s0 =	simm.s32 @!p0 $0x0  }
0x12: {  	s1 =	sld [smem:$0x3F95];
	s0 =	simm.s32 @p0 $0x1  }
0x13: {  	[smem:$0x3FB0] =	sst s0;
	s0 =	simm.s32 @!p1 $0x0  }
0x14: {  	s2 =	sld [smem:$0x3F94];
	s0 =	simm.s32 @p1 $0x1  }
0x15: {  	[smem:$0x3FB1] =	sst s0;
	s0 =	simm.s32 @!p2 $0x0  }
0x16: {  	s3 =	sld [smem:$0x3FDB];
	s0 =	simm.s32 @p2 $0x1  }
0x17: {  	s4 =	simm.s32 $0x1BF5;
	[smem:$0x3FB3] =	sst s0  }
0x18: {  	s0 =	sld [smem:$0x3F96];
	_ =	swait.ge [sflag:s4], $0x0  }
0x19: {  	s7 =	sld [smem:$0x3F97]  }
0x1a: {  	s8 =	sadd.s32 $0xFFFFE003, lr  }
0x1b: {  	s9 =	sadd.s32 $0xFFFFFEF7, lr;
	s5 =	simm.s32 $0xFFFFFFFF;
	p2 =	slt.u32 s8, $0xFFFFF086  }
0x1c: {  	p1 =	slt.u32 s9, $0xF7A;
	s5 =	simm.s32 @!p2 $0x0  }
0x1d: {  	s5 =	simm.s32 @p1 $0x1;
	p0 =	seq.s32 s7, s2  }
0x1e: {  	s7 =	smul.u32 @!p0 $0xF7A, s2;
	p2 =	seq.s32 @!p0 s5, $0x0  }
0x1f: {  	s9 =	smul.u32 $0xF7A, s1;
	s8 =	simm.s32 @!p0 $0x1BF5;
	p2 =	por !p2, p0  }
0x20: {  	[sflag:s8] =	ssyncset.s32 @!p0 $0xFFFFF086;
	s6 =	sadd.s32 @!p0 s3, s7;
	s7 =	simm.s32 @!p0 $0x108  }
0x21: {  	s3 =	sadd.s32 s3, s9;
	s6 =	sadd.s32 @!p0 $0x88, s6;
	s7 =	simm.s32 @p2 $0x1082  }
0x22: {  	[simem:s7], [sflag:s8] =	dma.local @!p0 [hbm:s6], $0xF7A  }
0x23: {  	s9 =	sor.u32 $0xD0000000, s2;
	s6 =	simm.s32 $0x108;
	_ =	swait.ge @!p0 [sflag:s8], $0x0  }
0x24: {  	s3 =	sadd.s32 $0x88, s3;
	s6 =	simm.s32 @!p1 $0x1082;
	[sflag:s4] =	ssyncset.s32 $0xFFFFF086  }
0x25: {  	[simem:s6], [sflag:s4] =	dma.local [hbm:s3], $0xF7A  }
0x26: {  	[smem:$0x3F97] =	sst s1;
	(tag) =	ssettag s2;
	_ =	strace s9  }
0x27: {  	s1 =	sld [smem:$0x3FA7]  }
0x28: {  	s2 =	sld [smem:$0x3FA8]  }
0x29: {  	s4 =	sld [smem:$0x3FAA]  }
0x2a: {  	p0 =	seq.s32 s5, $0x0;
	s5 =	sld [smem:$0x3FAB]  }
0x2b: {  	s6 =	sld [smem:$0x3FAC]  }
0x2c: {  	s7 =	sld [smem:$0x3FAD]  }
0x2d: {  	s3 =	simm.s32 $0x108;
	s8 =	sld [smem:$0x3FAE]  }
0x2e: {  	s3 =	simm.s32 @!p0 $0x1082;
	s9 =	sld [smem:$0x3FAF]  }
0x2f: {  	lr =	sadd.s32 s0, s3;
	s0 =	sld [smem:$0x3FA6]  }
0x30: {  	s3 =	sld [smem:$0x3FA9]  }
0x31: {  	[smem:$0x3FB2] =	sst s10  }
0x32: {  	s10 =	sld [smem:$0x3FB0];
	_ =	sdelay $0x3  }
0x33: {  	p0 =	seq.s32 s10, $0x1;
	s10 =	sld [smem:$0x3FB2];
	_ =	sdelay $0x3  }
0x34: {  	[smem:$0x3FB2] =	sst s10  }
0x35: {  	s10 =	sld [smem:$0x3FB1];
	_ =	sdelay $0x3  }
0x36: {  	p1 =	seq.s32 s10, $0x1;
	s10 =	sld [smem:$0x3FB2];
	_ =	sdelay $0x3  }
0x37: {  	[smem:$0x3FB2] =	sst s10  }
0x38: {  	s10 =	sld [smem:$0x3FB3]  }
0x39: {  	_ = 	snop;
	(pc) =	sbr.ind lr, $3  }
0x3a: {  	_ = 	snop  }
0x3b: {  	_ = 	snop  }
0x3c: {  	p2 =	seq.s32 s10, $0x1;
	s10 =	sld [smem:$0x3FB2]  }
0x3d: {  	_ =	shalt  }
0x3e: {  	_ =	shalt  }
0x3f: {  	_ =	shalt  }
0x40: {  	_ =	shalt  }
0x41: {  	_ =	shalt  }
0x42: {  	_ =	shalt  }
0x43: {  	_ =	shalt  }
0x44: {  	_ =	shalt  }
0x45: {  	_ =	shalt  }
0x46: {  	_ =	shalt  }
0x47: {  	_ =	shalt  }
0x48: {  	_ =	shalt  }
0x49: {  	_ =	shalt  }
0x4a: {  	_ =	shalt  }
0x4b: {  	_ =	shalt  }
0x4c: {  	_ =	shalt  }
0x4d: {  	_ =	shalt  }
0x4e: {  	_ =	shalt  }
0x4f: {  	_ =	shalt  }
0x50: {  	_ =	shalt  }
0x51: {  	_ =	shalt  }
0x52: {  	_ =	shalt  }
0x53: {  	_ =	shalt  }
0x54: {  	_ =	shalt  }
0x55: {  	_ =	shalt  }
0x56: {  	_ =	shalt  }
0x57: {  	_ =	shalt  }
0x58: {  	_ =	shalt  }
0x59: {  	_ =	shalt  }
0x5a: {  	_ =	shalt  }
0x5b: {  	_ =	shalt  }
0x5c: {  	_ =	shalt  }
0x5d: {  	_ =	shalt  }
0x5e: {  	_ =	shalt  }
0x5f: {  	_ =	shalt  }
0x60: {  	_ =	shalt  }
0x61: {  	_ =	shalt  }
0x62: {  	_ =	shalt  }
0x63: {  	_ =	shalt  }
0x64: {  	_ =	shalt  }
0x65: {  	_ =	shalt  }
0x66: {  	_ =	shalt  }
0x67: {  	_ =	shalt  }
0x68: {  	_ =	shalt  }
0x69: {  	_ =	shalt  }
0x6a: {  	_ =	shalt  }
0x6b: {  	_ =	shalt  }
0x6c: {  	_ =	shalt  }
0x6d: {  	_ =	shalt  }
0x6e: {  	_ =	shalt  }
0x6f: {  	_ =	shalt  }
0x70: {  	_ =	shalt  }
0x71: {  	_ =	shalt  }
0x72: {  	_ =	shalt  }
0x73: {  	_ =	shalt  }
0x74: {  	_ =	shalt  }
0x75: {  	_ =	shalt  }
0x76: {  	_ =	shalt  }
0x77: {  	_ =	shalt  }
0x78: {  	_ =	shalt  }
0x79: {  	_ =	shalt  }
0x7a: {  	_ =	shalt  }
0x7b: {  	_ =	shalt  }
0x7c: {  	_ =	shalt  }
0x7d: {  	_ =	shalt  }
0x7e: {  	_ =	shalt  }
0x7f: {  	_ =	shalt  }
0x80: {  	_ =	shalt  }
0x81: {  	_ =	shalt  }
0x82: {  	_ =	shalt  }
0x83: {  	_ =	shalt  }
0x84: {  	_ =	shalt  }
0x85: {  	_ =	shalt  }
0x86: {  	_ =	shalt  }
0x87: {  	_ =	shalt  }
.Lfunc_end0:
.L_simem_size_0:
called_computation_lowered:
.L_overlay_start_0:
0x88: {  	s2 =	sld [smem:$0x3FD9]  }
0x89: {  	s3 =	sld [smem:$0x3FFE];
	_ =	sdelay $0x1  }
0x8a: {  	s1 =	srdreg.scid  }
0x8b: {  	s0 =	sand.u32 $0x1, s1  }
0x8c: {  	s16 =	sshll.u32 s0, $0xA;
	s2 =	sadd.s32 s3, s2  }
0x8d: {  	s2 =	sadd.s32 s2, s16  }
0x8e: {  	[smem:$0x3FBE] =	sst s2  }
0x8f: {  	_ = 	snop  }
0x90: {  	(tm) =	ssettm $0x1  }
0x91: {  	s17 =	sld [smem:$0x3FFB];
	_ =	sdelay $0x3  }
0x92: {  	_ =	strace s17  }
0x93: {  	s2 =	sld [smem:$0x3FFC];
	_ =	sdelay $0x3  }
0x94: {  	_ =	strace s2  }
0x95: {  	s2 =	sld [smem:$0x3FFD];
	_ =	sdelay $0x3  }
0x96: {  	_ =	strace s2  }
0x97: {  	_ =	strace $0x8FFFFFFF  }
0x98: {  	s18 =	sld [smem:$0x3FDB];
	_ =	sdelay $0x1  }
0x99: {  	s19 =	simm.s32 $_scs_section_size  }
0x9a: {  	s4 =	simm.s32 $_size__tile_overlayer_lowered;
	s5 =	simm.s32 $_tile_overlayer_lowered  }
0x9b: {  	s22 =	simm.s32 $0x1BFF;
	s21 =	sshll.u32 s5, $0x1;
	s2 =	sadd.s32 s19, s18  }
0x9c: {  	s6 =	simm.s32 $0x0;
	s20 =	sshll.u32 s4, $0x1;
	s4 =	sadd.s32 s21, s2  }
0x9d: {  	[timem:s6], [sflag:s22] =	dma.local [hbm:s4], s20  }
0x9e: {  	_ =	swait.ge [sflag:s22], s20  }
0x9f: {  	s3 =	ssub.s32 $0x0, s20;
	[sflag:s22] =	ssyncset.done $0x0  }
0xa0: {  	[sflag:s22] =	ssyncadd.s32 s3;
	_ =	sdelay $0x1  }
0xa1: {  	s23 =	simm.s32 $0x1B8B  }
0xa2: {  	_ =	swait.ge [sflag:s23], $0x1  }
0xa3: {  	[sflag:s23] =	ssyncset.done $0x0  }
0xa4: {  	s25 =	simm.s32 $0x1B8E;
	s24 =	sld [smem:$0x3FFE];
	[sflag:s23] =	ssyncadd.s32 $0xFFFFFFFF  }
0xa5: {  	s26 =	simm.s32 $execute0_lowered;
	[smem:$0x3FD2] =	sst s25  }
0xa6: {  	s4 =	sshll.u32 s26, $0x1;
	_ =	strace $0x80000046;
	[dreg:$0x1] =	wrdreg $0xFFFFFFFF  }
0xa7: {  	s28 =	simm.s32 $_size_execute0_lowered;
	s2 =	sadd.s32 s2, s4;
	[dreg:$0x0] =	wrdreg $0x0  }
0xa8: {  	s4 =	sshll.u32 s28, $0x1;
	[dreg:$0x2] =	wrdreg s2  }
0xa9: {  	[dreg:$0x3] =	wrdreg s4  }
0xaa: {  	[dreg:$0x4] =	wrdreg $0xC0  }
0xab: {  	_ =	task [dreg:s6], $0x5FFFF  }
0xac: {  	[dreg:$0x1] =	wrdreg $0xFFFFFFFF  }
0xad: {  	[dreg:$0x0] =	wrdreg $0x60  }
0xae: {  	[dreg:$0x2] =	wrdreg s24  }
0xaf: {  	[dreg:$0x3] =	wrdreg $0x9  }
0xb0: {  	_ =	task.clear_ibuf [dreg:s6], $0x4FFFF;
	_ =	strace $0x90000046  }
0xb1: {  	s29 =	simm.s32 $0x9;
	_ =	strace $0x80000048  }
0xb2: {  	_ =	swait.ge [sflag:s29], $0x1  }
0xb3: {  	[sflag:s29] =	ssyncadd.s32 $0xFFFFFFFF  }
0xb4: {  	_ =	strace $0x90000048  }
0xb5: {  	_ =	sfence  }
0xb6: {  	s30 =	sld [smem:$0x0];
	_ =	sdelay $0x2  }
0xb7: {  	s31 =	sshll.u32 s1, $0xD;
	s1 =	sshrl.u32 s1, $0x2  }
0xb8: {  	s3 =	sand.u32 $0x4000, s31;
	s1 =	sadd.s32 s1, s30  }
0xb9: {  	s0 =	sor.u32 s3, s0;
	s1 =	sshll.u32 s1, $0x11  }
0xba: {  	s0 =	sor.u32 s1, s0  }
0xbb: {  	s0 =	sadd.s32 $0x8F2B, s0  }
0xbc: {  	[sflag:s0] =	ssyncadd.remote.s32 $0x1  }
0xbd: {  	_ =	sfence.sel $0xFFFF  }
0xbe: {  	[dreg:$0x0] =	wrdreg $0xFFFFFFFF;
	(pc) =	sbr.abs _section_cstart, $3  }
0xbf: {  	[dreg:$0x1] =	wrdreg $0xFFFFFFFF  }
0xc0: {  	_ =	task.clear_ibuf [dreg:s6], $0x2FFFF;
	_ =	strace $0x9FFFFFFF  }
0xc1: {  	(tm) =	ssettm $0x7FFFFFFF  }
tec
execute0_lowered:
.L_overlay_start_1:
0x0: {  	(tag) =	ssettag $0x1  }
0x1: {  	s1 =	srdreg.scid;
	s0 =	stileid.u32  }
0x2: {  	s4 =	rddreg [dreg:$0x0];
	s2 =	simm.s32 $0x0;
	s10 =	simm.s32 $0x1  }
0x3: {  	s11 =	simm.s32 $0x0;
	s3 =	sand.u32 $0x1, s1;
	s1 =	rddreg [dreg:$0x1]  }
0x4: {  	s5 =	sshll.u32 s0, $0x1;
	[smem:$0x7FF] =	sst s2;
	s6 =	smul.u32 $0xD000, s0  }
0x5: {  	s5 =	sor.u32 s3, s5;
	s7 =	ssub.s32 $0x2, s3;
	s9 =	smul.u32 $0x6800, s3  }
0x6: {  	_ =	strace $0x80000047;
	s5 =	smul.u32 $0xD00, s5;
	s8 =	sshrl.u32 s7, $0x1  }
0x7: {  	s3 =	sadd.s32 $0x27ADA00, s4;
	s6 =	sadd.s32 s6, s4;
	s7 =	ssub.s32 s7, s8  }
0x8: {  	s6 =	sadd.s32 s9, s6;
	s8 =	simm.s32 $0x80;
	s5 =	sshrl.u32 s5, $0x3  }
0x9: {  	s9 =	simm.s32 $0xD00;
	s6 =	sadd.s32 $0x4A00, s6;
	s5 =	sadd.s32 s5, s4  }
0xa: {  	s4 =	sadd.s32 $0x1600, s5;
	s5 =	smax.u32 s7, $0x1;
	s7 =	simm.s32 $0x2  }
.LBB2_1:
0xb: {  	[tilespmem:s2], [sflag:$0x2] =	stream.linear.gather [hbm4b:s4+s2], $0xD00, $0x38;
	[tilespmem:$0x2D00] =	vst v63  }
0xc: {  	_ =	swait.ge [sflag:s7], $0xD00  }
0xd: {  	[sflag:s7] =	ssyncset.done $0x0  }
0xe: {  	s12 =	simm.s32 $0x0;
	[sflag:s7] =	ssyncadd.s32 $0xFFFFF300  }
0xf: {  	[tilespmem:s9], [sflag:$0x1] =	stream.indirect.gather [hbm4b:s3+s8], $0x40, s12, s8, $0xb8;
	[tilespmem:$0x2D00] =	vst v63  }
0x10: {  	_ =	swait.ge [sflag:s10], $0x2000  }
0x11: {  	[sflag:s10] =	ssyncset.done $0x0  }
0x12: {  	[sflag:s10] =	ssyncadd.s32 $0xFFFFE000  }
0x13: {  	[hbm4b:s6+s2] =	stream.linear.scatter [tilespmem:s9], [sflag:$0x2], $0x2000, $0x38;
	[tilespmem:$0x2D00] =	vst v63  }
0x14: {  	s13 =	simm.s32 $0x200;
	_ =	swait.ge [sflag:s7], $0x2000  }
0x15: {  	s14 =	simm.s32 $0x400;
	s12 =	sadd.s32 $0x400, s6;
	[sflag:s7] =	ssyncset.done $0x0  }
.LBB2_2:
0x16: {  	s15 =	sshra.s32 s13, $0x2  }
0x17: {  	[sflag:s7] =	ssyncadd.s32 $0xFFFFE000;
	s13 =	smov.u32 s14;
	s16 =	sadd.s32 $0x200, s14  }
0x18: {  	[tilespmem:s9], [sflag:$0x1] =	stream.indirect.gather [hbm4b:s3+s8], $0x40, s15, s8, $0xb8;
	[tilespmem:$0x2D00] =	vst v63  }
0x19: {  	p0 =	sne.s32 s14, $0x3200;
	_ =	swait.ge [sflag:s10], $0x2000  }
.Ltmp0:
0x1a: {  	[sflag:s10] =	ssyncset.done $0x0;
	(pc) =	sbr.rel @p0 .LBB2_2-.Ltmp0, $4  }
0x1b: {  	[sflag:s10] =	ssyncadd.s32 $0xFFFFE000  }
0x1c: {  	[hbm4b:s12+s2] =	stream.linear.scatter [tilespmem:s9], [sflag:$0x2], $0x2000, $0x38;
	[tilespmem:$0x2D00] =	vst v63  }
0x1d: {  	_ =	swait.ge [sflag:s7], $0x2000  }
0x1e: {  	s14 =	smov.u32 s16;
	s12 =	sadd.s32 $0x400, s12;
	[sflag:s7] =	ssyncset.done $0x0  }
0x1f: {  	s13 =	sshra.s32 s13, $0x2;
	[sflag:s7] =	ssyncadd.s32 $0xFFFFE000  }
0x20: {  	[tilespmem:s9], [sflag:$0x1] =	stream.indirect.gather [hbm4b:s3+s8], $0x40, s13, s8, $0xb8;
	[tilespmem:$0x2D00] =	vst v63  }
0x21: {  	s11 =	sadd.s32 $0x1, s11;
	_ =	swait.ge [sflag:s10], $0x2000  }
0x22: {  	p0 =	sne.s32 s11, s5;
	[sflag:s10] =	ssyncset.done $0x0  }
.Ltmp1:
0x23: {  	[sflag:s10] =	ssyncadd.s32 $0xFFFFE000;
	(pc) =	sbr.rel @p0 .LBB2_1-.Ltmp1, $4  }
0x24: {  	[hbm4b:s12+s2] =	stream.linear.scatter [tilespmem:s9], [sflag:$0x2], $0x2000, $0x38;
	[tilespmem:$0x2D00] =	vst v63  }
0x25: {  	_ =	swait.ge [sflag:s7], $0x2000  }
0x26: {  	[sflag:s7] =	ssyncset.done $0x0  }
0x27: {  	[sflag:s7] =	ssyncadd.s32 $0xFFFFE000  }
0x28: {  	_ =	sfence.sel $0x180000  }
0x29: {  	[bflag:$0x0] =	sbarrier.arrive $0xFFFF  }
0x2a: {  	p0 =	sne.s32 s0, $0x0;
	_ =	strace $0x90000047  }
0x2b: {  	s0 =	sadd.s32 @!p0 $0x100000, s1;
	[bflag:$0x2] =	sbarrier.arrive $0xFFFF  }
0x2c: {  	[sflag:s0] =	ssyncadd.tile.s32 @!p0 $0x1;
	_ =	shalt  }
.Lfunc_end2:
_tile_overlayer_lowered:
.L_overlay_start_2:
0x2d: {  	(tag) =	ssettag $0x2  }
0x2e: {  	s0 =	rddreg [dreg:$0x0];
	s2 =	stileid.u32  }
0x2f: {  	s1 =	rddreg [dreg:$0x1];
	p0 =	sne.s32 s2, $0x0  }
0x30: {  	s3 =	rddreg [dreg:$0x2];
	[bflag:$0x3] =	sbarrier.arrive $0xFFFF;
	s2 =	simm.s32 @!p0 $0x1C02  }
0x31: {  	[timem:s3], [sflag:s2] =	dma.local @!p0 [hbm:s0], s1  }
0x32: {  	s0 =	simm.s32 @!p0 $0x2  }
0x33: {  	_ =	swait.ge @!p0 [sflag:s0], s1  }
0x34: {  	s1 =	ssub.s32 @!p0 $0x0, s1;
	[sflag:s0] =	ssyncset.done @!p0 $0x0  }
0x35: {  	[sflag:s0] =	ssyncadd.s32 @!p0 s1  }
0x36: {  	[bflag:$0x3] =	sbarrier.arrive $0xFFFF  }
0x37: {  	_ =	shalt  }

</sc_bundles>
